<compile_context>
chip_gen: v7x
topology: tpu7x:2x2x1
jax: 0.10.2.dev20260603
libtpu: 0.0.44.dev20260713+nightly
codegen_flags: <defaults>
</compile_context>

<pallas_src>
import functools

import jax
import jax.numpy as jnp
from jax import lax
from jax.experimental import pallas as pl
from jax.experimental.pallas import tpu as pltpu
from jax.experimental.pallas import tpu_sc as plsc

_EPS = 1e-05
_W = 8192
_C = 32
_MOMENTUM = 0.99

_F = 16384
_M_TILE = 1024
_N_TILES = _F // _M_TILE

_NC = 2
_NS = 16
_NW = _NC * _NS
_L = 16
_SC_IT = _F // _L
_ZB_IT = _W // _L
_CNT_TILES = 4


def _argmax_body(f_ref, d_ref, idx_ref, dn_ref):
    d = d_ref[...]
    nrm = jnp.sqrt(jnp.sum(d * d, axis=1, keepdims=True))
    dn_ref[...] = d / jnp.maximum(nrm, _EPS)

    def body(i, carry):
        f = f_ref[pl.ds(i * _M_TILE, _M_TILE), :].astype(jnp.bfloat16)
        sim = lax.dot_general(
            f, dn_ref[...].astype(jnp.bfloat16), (((1,), (1,)), ((), ())),
            preferred_element_type=jnp.float32)
        j = lax.broadcasted_iota(jnp.int32, sim.shape, 1)
        enc = (lax.bitcast_convert_type(sim, jnp.int32)
               & jnp.int32(~0x1FFF)) | j
        best = jnp.max(lax.bitcast_convert_type(enc, jnp.float32), axis=1)
        idx = lax.bitcast_convert_type(best, jnp.int32) & jnp.int32(0x1FFF)
        idx_ref[i, :] = idx
        return carry

    lax.fori_loop(0, _N_TILES, body, 0)


def _argmax_call(feature, dictionary):
    return pl.pallas_call(
        _argmax_body,
        out_shape=jax.ShapeDtypeStruct((_N_TILES, _M_TILE), jnp.int32),
        scratch_shapes=[pltpu.VMEM((_W, _C), jnp.float32)],
    )(feature, dictionary)


def _scatter_body(valsT_hbm, idx_hbm, o_hbm, val_v, idx_v, acc):
    c = lax.axis_index("c")
    s = lax.axis_index("s")
    t = c * _NS + s
    pltpu.sync_copy(valsT_hbm.at[pl.ds(t * _F, _F)], val_v)
    pltpu.sync_copy(idx_hbm, idx_v)

    def zero(k, carry):
        acc[pl.ds(k * _L, _L)] = jnp.zeros((_L,), jnp.float32)
        return carry
    lax.fori_loop(0, _ZB_IT, zero, 0)

    def body(k, carry):
        ii = idx_v[pl.ds(k * _L, _L)]
        xx = val_v[pl.ds(k * _L, _L)]
        plsc.addupdate_scatter(acc, [ii], xx)
        return carry
    lax.fori_loop(0, _SC_IT, body, 0)
    pltpu.sync_copy(acc, o_hbm.at[pl.ds(t * _W, _W)])

    @pl.when(t >= _NW - _CNT_TILES)
    def _():
        q = t - (_NW - _CNT_TILES)

        def zero2(k, carry):
            acc[pl.ds(k * _L, _L)] = jnp.zeros((_L,), jnp.float32)
            return carry
        lax.fori_loop(0, _ZB_IT, zero2, 0)
        ones = jnp.ones((_L,), jnp.float32)
        base = q * (_SC_IT // _CNT_TILES)

        def body2(k, carry):
            ii = idx_v[pl.ds((base + k) * _L, _L)]
            plsc.addupdate_scatter(acc, [ii], ones)
            return carry
        lax.fori_loop(0, _SC_IT // _CNT_TILES, body2, 0)
        pltpu.sync_copy(acc, o_hbm.at[pl.ds((_NW + q) * _W, _W)])


@functools.lru_cache(maxsize=1)
def _make_scatter_call():
    return pl.kernel(
        _scatter_body,
        out_type=jax.ShapeDtypeStruct(((_NW + _CNT_TILES) * _W,), jnp.float32),
        mesh=plsc.VectorSubcoreMesh(core_axis_name="c", subcore_axis_name="s",
                                    num_cores=_NC, num_subcores=_NS),
        compiler_params=pltpu.CompilerParams(needs_layout_passes=False),
        scratch_types=[
            pltpu.VMEM((_F,), jnp.float32),
            pltpu.VMEM((_F,), jnp.int32),
            pltpu.VMEM((_W,), jnp.float32),
        ],
    )


def _ema_body(p_ref, d_ref, ds_ref, dn_ref, o_ref):
    p = p_ref[...]
    seg = p[:, :_C]
    cnt = jnp.sum(p[:, _C:], axis=1, keepdims=True)
    used = cnt > 0.0
    dsum = ds_ref[...]
    dnum = dn_ref[...]
    new_sum = jnp.where(used, _MOMENTUM * dsum + (1.0 - _MOMENTUM) * seg, dsum)
    new_num = jnp.where(used, _MOMENTUM * dnum + (1.0 - _MOMENTUM) * cnt, dnum)
    o_ref[...] = jnp.where(used, new_sum / new_num, d_ref[...])


def _ema_call(seg, dictionary, dictionary_sum, dictionary_num):
    return pl.pallas_call(
        _ema_body,
        out_shape=jax.ShapeDtypeStruct((_W, _C), jnp.float32),
    )(seg, dictionary, dictionary_sum, dictionary_num)


def kernel(feature, dictionary, dictionary_sum, dictionary_num):
    feature = feature.reshape(-1, _C).astype(jnp.float32)
    idx = _argmax_call(feature, dictionary)
    featT = feature.T.reshape(-1)
    flat = _make_scatter_call()(featT, idx.reshape(-1))
    seg = flat.reshape(_NW + _CNT_TILES, _W).T
    return _ema_call(seg, dictionary, dictionary_sum,
                     dictionary_num.reshape(_W, 1))

# --- scband reference (transcript-rebuilt; emitter-appended) ---
"""Pipeline reference for scband-codebook-generator-81192061764457 (READ-ONLY COPY).

The authoritative reference and input builder live on the scoring server;
editing this copy changes nothing except your own understanding.
"""

import jax, jax.numpy as jnp
import numpy as np

NORMALIZE_EPS = 1e-05
NUM_WORDS = 8192
NUM_CHANNELS = 32
DIC_MOMENTUM = 0.99


def _normalize(x, eps):
    # Matches torch F.normalize(p=2): x / max(||x||_2, eps)
    norm = jnp.linalg.norm(x, ord=2, axis=-1, keepdims=True)
    return x / jnp.maximum(norm, eps)


def setup_inputs(seed: int = 0) -> dict:
    key = jax.random.key(seed)
    k1, k2 = jax.random.split(key, 2)
    feature = jax.random.normal(k1, (16384, NUM_CHANNELS), dtype=jnp.float32)
    dictionary = jax.random.normal(k2, (NUM_WORDS, NUM_CHANNELS), dtype=jnp.float32)
    dictionary_sum = dictionary  # buffer initialized as dictionary.clone()
    dictionary_num = jnp.ones((NUM_WORDS,), dtype=jnp.float32)
    return {
        "feature": feature,
        "dictionary": dictionary,
        "dictionary_sum": dictionary_sum,
        "dictionary_num": dictionary_num,
    }


def reference(feature, dictionary, dictionary_sum, dictionary_num):
    feature = feature.reshape(-1, NUM_CHANNELS)
    normed_feature = _normalize(feature, NORMALIZE_EPS)
    normed_dictionary = _normalize(dictionary, NORMALIZE_EPS)
    similarity = normed_feature @ normed_dictionary.T
    sim_index = jnp.argmax(similarity, axis=1)

    # update_dictionary (online k-means EMA), first iteration:
    # iteration_time becomes 1, 1 % TIMEOUT_STEPS != 0 -> maintain_codewords not triggered.
    counts = jnp.bincount(sim_index, length=NUM_WORDS).astype(jnp.float32)
    ema_features = jax.ops.segment_sum(feature, sim_index, num_segments=NUM_WORDS)
    used = counts > 0
    new_sum = jnp.where(
        used[:, None],
        DIC_MOMENTUM * dictionary_sum + (1.0 - DIC_MOMENTUM) * ema_features,
        dictionary_sum,
    )
    new_num = jnp.where(
        used,
        DIC_MOMENTUM * dictionary_num + (1.0 - DIC_MOMENTUM) * counts,
        dictionary_num,
    )
    new_dictionary = jnp.where(used[:, None], new_sum / new_num[:, None], dictionary)
    return new_dictionary

if __name__ == "__main__":
    import jax
    _d = setup_inputs()
    print(jax.jit(kernel)(*tuple(_d.values())))

</pallas_src>

<mosaic_0001>
#map = affine_map<(d0, d1) -> (0)>
module attributes {stable_mosaic.version = 14 : i64} {
  func.func @_scatter_body(%arg0: i32, %arg1: i32, %arg2: memref<524288xf32, #tpu.memory_space<hbm>>, %arg3: memref<16384xi32, #tpu.memory_space<hbm>>, %arg4: memref<294912xf32, #tpu.memory_space<hbm>>, %arg5: memref<16384xf32, #tpu.memory_space<vmem>>, %arg6: memref<16384xi32, #tpu.memory_space<vmem>>, %arg7: memref<8192xf32, #tpu.memory_space<vmem>>) attributes {dimension_semantics = [#tpu.dimension_semantics<core_parallel>, #tpu.dimension_semantics<subcore_parallel>], iteration_bounds = array<i64: 2, 16>, scalar_prefetch = 0 : i64, scratch_operands = 3 : i64, tpu.core_type = #tpu.core_type<sc_vector_subcore>, window_params = [{transform_indices = #map}, {transform_indices = #map}, {transform_indices = #map}]} {
    %mul3A = arith.constant 16 : i32
    %mul3A_0 = arith.muli %arg0, %mul3A : i32
    %add3A = arith.addi %mul3A_0, %arg1 : i32
    %mul3A_1 = arith.constant 16384 : i32
    %mul3A_2 = arith.muli %add3A, %mul3A_1 : i32
    "tpu.region"() ({
      %run_scoped3A = tpu.sem_alloc : memref<!tpu.dma_semaphore, #tpu.memory_space<semaphore_mem>>
      %dma_start3A = tpu.memref_slice %arg2[%mul3A_2] : memref<524288xf32, #tpu.memory_space<hbm>> -> memref<16384xf32, #tpu.memory_space<hbm>>
      %dma_start3A_18 = tpu.memref_slice %arg2[%mul3A_2] : memref<524288xf32, #tpu.memory_space<hbm>> -> memref<16384xf32, #tpu.memory_space<hbm>>
      tpu.enqueue_dma source(%dma_start3A_18 : memref<16384xf32, #tpu.memory_space<hbm>>) target(%arg5 : memref<16384xf32, #tpu.memory_space<vmem>>) target_semaphore(%run_scoped3A : memref<!tpu.dma_semaphore, #tpu.memory_space<semaphore_mem>>)
      %dma_wait3A = tpu.memref_slice %arg2[%mul3A_2] : memref<524288xf32, #tpu.memory_space<hbm>> -> memref<16384xf32, #tpu.memory_space<hbm>>
      %dma_wait3A_19 = tpu.memref_slice %arg2[%mul3A_2] : memref<524288xf32, #tpu.memory_space<hbm>> -> memref<16384xf32, #tpu.memory_space<hbm>>
      tpu.wait_dma2 semaphore(%run_scoped3A : memref<!tpu.dma_semaphore, #tpu.memory_space<semaphore_mem>>) src(%dma_wait3A_19 : memref<16384xf32, #tpu.memory_space<hbm>>) dst(%arg5 : memref<16384xf32, #tpu.memory_space<vmem>>)
      tpu.yield
    }) : () -> ()
    "tpu.region"() ({
      %run_scoped3A = tpu.sem_alloc : memref<!tpu.dma_semaphore, #tpu.memory_space<semaphore_mem>>
      tpu.enqueue_dma source(%arg3 : memref<16384xi32, #tpu.memory_space<hbm>>) target(%arg6 : memref<16384xi32, #tpu.memory_space<vmem>>) target_semaphore(%run_scoped3A : memref<!tpu.dma_semaphore, #tpu.memory_space<semaphore_mem>>)
      tpu.wait_dma2 semaphore(%run_scoped3A : memref<!tpu.dma_semaphore, #tpu.memory_space<semaphore_mem>>) src(%arg3 : memref<16384xi32, #tpu.memory_space<hbm>>) dst(%arg6 : memref<16384xi32, #tpu.memory_space<vmem>>)
      tpu.yield
    }) : () -> ()
    %scan3A = arith.constant 0 : i32
    %scan3A_3 = arith.constant 0 : i32
    %scan3A_4 = arith.constant 512 : i32
    %scan3A_5 = arith.addi %scan3A_3, %scan3A_4 : i32
    %scan3A_6 = arith.constant 1 : i32
    scf.for %scan3A_18 = %scan3A_3 to %scan3A_5 step %scan3A_6  : i32 {
      %broadcast_in_dim3A = arith.constant 0.000000e+00 : f32
      %broadcast_in_dim3A_19 = vector.broadcast %broadcast_in_dim3A : f32 to vector<16xf32>
      %mul3A_20 = arith.constant 16 : i32
      %mul3A_21 = arith.muli %scan3A_18, %mul3A_20 : i32
      %swap3A = arith.index_cast %mul3A_21 : i32 to index
      %swap3A_22 = tpu.vector_load %arg7[%swap3A] {strides = array<i32>} : memref<8192xf32, #tpu.memory_space<vmem>>, vector<16xf32>,
      tpu.vector_store %arg7[%swap3A], %broadcast_in_dim3A_19 {strides = array<i32>} : memref<8192xf32, #tpu.memory_space<vmem>>, vector<16xf32>,
    }
    %scan3A_7 = arith.constant 512 : i32
    %scan3A_8 = arith.constant 0 : i32
    %scan3A_9 = arith.constant 0 : i32
    %scan3A_10 = arith.constant 1024 : i32
    %scan3A_11 = arith.addi %scan3A_9, %scan3A_10 : i32
    %scan3A_12 = arith.constant 1 : i32
    scf.for %scan3A_18 = %scan3A_9 to %scan3A_11 step %scan3A_12  : i32 {
      %mul3A_19 = arith.constant 16 : i32
      %mul3A_20 = arith.muli %scan3A_18, %mul3A_19 : i32
      %get3A = arith.index_cast %mul3A_20 : i32 to index
      %get3A_21 = tpu.vector_load %arg6[%get3A] {strides = array<i32>} : memref<16384xi32, #tpu.memory_space<vmem>>, vector<16xi32>,
      %mul3A_22 = arith.constant 16 : i32
      %mul3A_23 = arith.muli %scan3A_18, %mul3A_22 : i32
      %get3A_24 = arith.index_cast %mul3A_23 : i32 to index
      %get3A_25 = tpu.vector_load %arg5[%get3A_24] {strides = array<i32>} : memref<16384xf32, #tpu.memory_space<vmem>>, vector<16xf32>,
      tpu.vector_store_idx %arg7[%get3A_21], %get3A_25 {add = true} : memref<8192xf32, #tpu.memory_space<vmem>>[vector<16xi32>], vector<16xf32>,
    }
    %scan3A_13 = arith.constant 1024 : i32
    %mul3A_14 = arith.constant 8192 : i32
    %mul3A_15 = arith.muli %add3A, %mul3A_14 : i32
    "tpu.region"() ({
      %run_scoped3A = tpu.sem_alloc : memref<!tpu.dma_semaphore, #tpu.memory_space<semaphore_mem>>
      %dma_start3A = tpu.memref_slice %arg4[%mul3A_15] : memref<294912xf32, #tpu.memory_space<hbm>> -> memref<8192xf32, #tpu.memory_space<hbm>>
      %dma_start3A_18 = tpu.memref_slice %arg4[%mul3A_15] : memref<294912xf32, #tpu.memory_space<hbm>> -> memref<8192xf32, #tpu.memory_space<hbm>>
      tpu.enqueue_dma source(%arg7 : memref<8192xf32, #tpu.memory_space<vmem>>) target(%dma_start3A_18 : memref<8192xf32, #tpu.memory_space<hbm>>) target_semaphore(%run_scoped3A : memref<!tpu.dma_semaphore, #tpu.memory_space<semaphore_mem>>)
      %dma_wait3A = tpu.memref_slice %arg4[%mul3A_15] : memref<294912xf32, #tpu.memory_space<hbm>> -> memref<8192xf32, #tpu.memory_space<hbm>>
      %dma_wait3A_19 = tpu.memref_slice %arg4[%mul3A_15] : memref<294912xf32, #tpu.memory_space<hbm>> -> memref<8192xf32, #tpu.memory_space<hbm>>
      tpu.wait_dma2 semaphore(%run_scoped3A : memref<!tpu.dma_semaphore, #tpu.memory_space<semaphore_mem>>) src(%arg7 : memref<8192xf32, #tpu.memory_space<vmem>>) dst(%dma_wait3A_19 : memref<8192xf32, #tpu.memory_space<hbm>>)
      tpu.yield
    }) : () -> ()
    %ge3A = arith.constant 28 : i32
    %ge3A_16 = arith.cmpi sge, %add3A, %ge3A : i32
    %convert_element_type3A = arith.extui %ge3A_16 : i1 to i32
    %cond3A = arith.constant 0 : i32
    %cond3A_17 = arith.cmpi ne, %convert_element_type3A, %cond3A : i32
    scf.if %cond3A_17 {
      %sub3A = arith.constant 28 : i32
      %sub3A_18 = arith.subi %add3A, %sub3A : i32
      %scan3A_19 = arith.constant 0 : i32
      %scan3A_20 = arith.constant 0 : i32
      %scan3A_21 = arith.constant 512 : i32
      %scan3A_22 = arith.addi %scan3A_20, %scan3A_21 : i32
      %scan3A_23 = arith.constant 1 : i32
      scf.for %scan3A_38 = %scan3A_20 to %scan3A_22 step %scan3A_23  : i32 {
        %broadcast_in_dim3A_39 = arith.constant 0.000000e+00 : f32
        %broadcast_in_dim3A_40 = vector.broadcast %broadcast_in_dim3A_39 : f32 to vector<16xf32>
        %mul3A_41 = arith.constant 16 : i32
        %mul3A_42 = arith.muli %scan3A_38, %mul3A_41 : i32
        %swap3A = arith.index_cast %mul3A_42 : i32 to index
        %swap3A_43 = tpu.vector_load %arg7[%swap3A] {strides = array<i32>} : memref<8192xf32, #tpu.memory_space<vmem>>, vector<16xf32>,
        tpu.vector_store %arg7[%swap3A], %broadcast_in_dim3A_40 {strides = array<i32>} : memref<8192xf32, #tpu.memory_space<vmem>>, vector<16xf32>,
      }
      %scan3A_24 = arith.constant 512 : i32
      %broadcast_in_dim3A = arith.constant 1.000000e+00 : f32
      %broadcast_in_dim3A_25 = vector.broadcast %broadcast_in_dim3A : f32 to vector<16xf32>
      %mul3A_26 = arith.constant 256 : i32
      %mul3A_27 = arith.muli %sub3A_18, %mul3A_26 : i32
      %scan3A_28 = arith.constant 0 : i32
      %scan3A_29 = arith.constant 0 : i32
      %scan3A_30 = arith.constant 256 : i32
      %scan3A_31 = arith.addi %scan3A_29, %scan3A_30 : i32
      %scan3A_32 = arith.constant 1 : i32
      scf.for %scan3A_38 = %scan3A_29 to %scan3A_31 step %scan3A_32  : i32 {
        %add3A_39 = arith.addi %mul3A_27, %scan3A_38 : i32
        %mul3A_40 = arith.constant 16 : i32
        %mul3A_41 = arith.muli %add3A_39, %mul3A_40 : i32
        %get3A = arith.index_cast %mul3A_41 : i32 to index
        %get3A_42 = tpu.vector_load %arg6[%get3A] {strides = array<i32>} : memref<16384xi32, #tpu.memory_space<vmem>>, vector<16xi32>,
        tpu.vector_store_idx %arg7[%get3A_42], %broadcast_in_dim3A_25 {add = true} : memref<8192xf32, #tpu.memory_space<vmem>>[vector<16xi32>], vector<16xf32>,
      }
      %scan3A_33 = arith.constant 256 : i32
      %add3A_34 = arith.constant 32 : i32
      %add3A_35 = arith.addi %add3A_34, %sub3A_18 : i32
      %mul3A_36 = arith.constant 8192 : i32
      %mul3A_37 = arith.muli %add3A_35, %mul3A_36 : i32
      "tpu.region"() ({
        %run_scoped3A = tpu.sem_alloc : memref<!tpu.dma_semaphore, #tpu.memory_space<semaphore_mem>>
        %dma_start3A = tpu.memref_slice %arg4[%mul3A_37] : memref<294912xf32, #tpu.memory_space<hbm>> -> memref<8192xf32, #tpu.memory_space<hbm>>
        %dma_start3A_38 = tpu.memref_slice %arg4[%mul3A_37] : memref<294912xf32, #tpu.memory_space<hbm>> -> memref<8192xf32, #tpu.memory_space<hbm>>
        tpu.enqueue_dma source(%arg7 : memref<8192xf32, #tpu.memory_space<vmem>>) target(%dma_start3A_38 : memref<8192xf32, #tpu.memory_space<hbm>>) target_semaphore(%run_scoped3A : memref<!tpu.dma_semaphore, #tpu.memory_space<semaphore_mem>>)
        %dma_wait3A = tpu.memref_slice %arg4[%mul3A_37] : memref<294912xf32, #tpu.memory_space<hbm>> -> memref<8192xf32, #tpu.memory_space<hbm>>
        %dma_wait3A_39 = tpu.memref_slice %arg4[%mul3A_37] : memref<294912xf32, #tpu.memory_space<hbm>> -> memref<8192xf32, #tpu.memory_space<hbm>>
        tpu.wait_dma2 semaphore(%run_scoped3A : memref<!tpu.dma_semaphore, #tpu.memory_space<semaphore_mem>>) src(%arg7 : memref<8192xf32, #tpu.memory_space<vmem>>) dst(%dma_wait3A_39 : memref<8192xf32, #tpu.memory_space<hbm>>)
        tpu.yield
      }) : () -> ()
    } else {
    }
    return
  }
}

module attributes {stable_mosaic.version = 14 : i64} {
  func.func @_argmax_body(%arg0: memref<16384x32xf32, #tpu.memory_space<vmem>>, %arg1: memref<8192x32xf32, #tpu.memory_space<vmem>>, %arg2: memref<16x1024xi32, #tpu.memory_space<vmem>>, %arg3: memref<8192x32xf32, #tpu.memory_space<vmem>>) attributes {dimension_semantics = [], scalar_prefetch = 0 : i64, scratch_operands = 1 : i64, tpu.core_type = #tpu.core_type<tc>} {
    %get3A = arith.constant 0 : index
    %get3A_0 = arith.constant 0 : index
    %get3A_1 = vector.load %arg1[%get3A, %get3A_0] : memref<8192x32xf32, #tpu.memory_space<vmem>>, vector<8192x32xf32>
    %mul3A = arith.mulf %get3A_1, %get3A_1 : vector<8192x32xf32>
    %reduce_sum3A = arith.constant dense<0.000000e+00> : vector<8192xf32>
    %reduce_sum3A_2 = vector.multi_reduction <add>, %mul3A, %reduce_sum3A [1] : vector<8192x32xf32> to vector<8192xf32>
    %broadcast_in_dim3A = vector.shape_cast %reduce_sum3A_2 : vector<8192xf32> to vector<8192x1xf32>
    %sqrt3A = math.sqrt %broadcast_in_dim3A : vector<8192x1xf32>
    %max3A = arith.constant 9.99999974E-6 : f32
    %max3A_3 = vector.broadcast %max3A : f32 to vector<8192x1xf32>
    %max3A_4 = arith.maximumf %sqrt3A, %max3A_3 : vector<8192x1xf32>
    %div3A = vector.broadcast %max3A_4 : vector<8192x1xf32> to vector<8192x32xf32>
    %div3A_5 = arith.divf %get3A_1, %div3A : vector<8192x32xf32>
    %swap3A = arith.constant 0 : index
    %swap3A_6 = arith.constant 0 : index
    %swap3A_7 = vector.load %arg3[%swap3A, %swap3A_6] : memref<8192x32xf32, #tpu.memory_space<vmem>>, vector<8192x32xf32>
    tpu.vector_store %arg3[%swap3A, %swap3A_6], %div3A_5 {strides = array<i32>} : memref<8192x32xf32, #tpu.memory_space<vmem>>, vector<8192x32xf32>,
    %scan3A = arith.constant 0 : i32
    %scan3A_8 = arith.constant 16 : i32
    %scan3A_9 = arith.addi %scan3A, %scan3A_8 : i32
    %scan3A_10 = arith.constant 1 : i32
    scf.for %scan3A_12 = %scan3A to %scan3A_9 step %scan3A_10  : i32 {
      %mul3A_13 = arith.constant 1024 : i32
      %mul3A_14 = arith.muli %scan3A_12, %mul3A_13 : i32
      %get3A_15 = arith.index_cast %mul3A_14 : i32 to index
      %get3A_16 = arith.constant 0 : index
      %get3A_17 = vector.load %arg0[%get3A_15, %get3A_16] : memref<16384x32xf32, #tpu.memory_space<vmem>>, vector<1024x32xf32>
      %convert_element_type3A = arith.truncf %get3A_17 : vector<1024x32xf32> to vector<1024x32xbf16>
      %get3A_18 = arith.constant 0 : index
      %get3A_19 = arith.constant 0 : index
      %get3A_20 = vector.load %arg3[%get3A_18, %get3A_19] : memref<8192x32xf32, #tpu.memory_space<vmem>>, vector<8192x32xf32>
      %convert_element_type3A_21 = arith.truncf %get3A_20 : vector<8192x32xf32> to vector<8192x32xbf16>
      %dot_general3A = arith.constant dense<0.000000e+00> : vector<1024x8192xf32>
      %dot_general3A_22 = tpu.matmul %convert_element_type3A, %convert_element_type3A_21, %dot_general3A {dimension_numbers = #tpu.dot_dimension_numbers<[1], [1], [0], [0], [0, 0, 1, 0], [], []>, transpose_lhs_hint = false} : vector<1024x32xbf16>, vector<8192x32xbf16>, vector<1024x8192xf32> -> vector<1024x8192xf32>
      %iota3A = tpu.iota {dimensions = array<i32: 1>} : vector<1024x8192xi32>
      %bitcast_convert_type3A = tpu.bitcast %dot_general3A_22 : vector<1024x8192xf32> -> vector<1024x8192xi32>
      %and3A = arith.constant -8192 : i32
      %and3A_23 = vector.broadcast %and3A : i32 to vector<1024x8192xi32>
      %and3A_24 = arith.andi %bitcast_convert_type3A, %and3A_23 : vector<1024x8192xi32>
      %or3A = arith.ori %and3A_24, %iota3A : vector<1024x8192xi32>
      %bitcast_convert_type3A_25 = tpu.bitcast %or3A : vector<1024x8192xi32> -> vector<1024x8192xf32>
      %reduce_max3A = arith.constant dense<0xFF800000> : vector<1024xf32>
      %reduce_max3A_26 = vector.multi_reduction <maximumf>, %bitcast_convert_type3A_25, %reduce_max3A [1] : vector<1024x8192xf32> to vector<1024xf32>
      %bitcast_convert_type3A_27 = tpu.bitcast %reduce_max3A_26 : vector<1024xf32> -> vector<1024xi32>
      %and3A_28 = arith.constant 8191 : i32
      %and3A_29 = vector.broadcast %and3A_28 : i32 to vector<1024xi32>
      %and3A_30 = arith.andi %bitcast_convert_type3A_27, %and3A_29 : vector<1024xi32>
      %swap3A_31 = arith.index_cast %scan3A_12 : i32 to index
      %swap3A_32 = arith.constant 0 : index
      %swap3A_33 = vector.load %arg2[%swap3A_31, %swap3A_32] : memref<16x1024xi32, #tpu.memory_space<vmem>>, vector<1x1024xi32>
      %swap3A_34 = vector.shape_cast %swap3A_33 : vector<1x1024xi32> to vector<1024xi32>
      %swap3A_35 = vector.shape_cast %and3A_30 : vector<1024xi32> to vector<1x1024xi32>
      tpu.vector_store %arg2[%swap3A_31, %swap3A_32], %swap3A_35 {strides = array<i32>} : memref<16x1024xi32, #tpu.memory_space<vmem>>, vector<1x1024xi32>,
    }
    %scan3A_11 = arith.constant 16 : i32
    return
  }
}

module attributes {stable_mosaic.version = 14 : i64} {
  func.func @_ema_body(%arg0: memref<8192x36xf32, #tpu.memory_space<vmem>>, %arg1: memref<8192x32xf32, #tpu.memory_space<vmem>>, %arg2: memref<8192x32xf32, #tpu.memory_space<vmem>>, %arg3: memref<8192x1xf32, #tpu.memory_space<vmem>>, %arg4: memref<8192x32xf32, #tpu.memory_space<vmem>>) attributes {dimension_semantics = [], scalar_prefetch = 0 : i64, scratch_operands = 0 : i64, tpu.core_type = #tpu.core_type<tc>} {
    %get3A = arith.constant 0 : index
    %get3A_0 = arith.constant 0 : index
    %get3A_1 = vector.load %arg0[%get3A, %get3A_0] : memref<8192x36xf32, #tpu.memory_space<vmem>>, vector<8192x36xf32>
    %slice3A = vector.extract_strided_slice %get3A_1 {offsets = [0, 0], sizes = [8192, 32], strides = [1, 1]} : vector<8192x36xf32> to vector<8192x32xf32>
    %slice3A_2 = vector.extract_strided_slice %get3A_1 {offsets = [0, 32], sizes = [8192, 4], strides = [1, 1]} : vector<8192x36xf32> to vector<8192x4xf32>
    %reduce_sum3A = arith.constant dense<0.000000e+00> : vector<8192xf32>
    %reduce_sum3A_3 = vector.multi_reduction <add>, %slice3A_2, %reduce_sum3A [1] : vector<8192x4xf32> to vector<8192xf32>
    %broadcast_in_dim3A = vector.shape_cast %reduce_sum3A_3 : vector<8192xf32> to vector<8192x1xf32>
    %gt3A = arith.constant 0.000000e+00 : f32
    %gt3A_4 = vector.broadcast %gt3A : f32 to vector<8192x1xf32>
    %gt3A_5 = arith.cmpf ogt, %broadcast_in_dim3A, %gt3A_4 : vector<8192x1xf32>
    %get3A_6 = arith.constant 0 : index
    %get3A_7 = arith.constant 0 : index
    %get3A_8 = vector.load %arg2[%get3A_6, %get3A_7] : memref<8192x32xf32, #tpu.memory_space<vmem>>, vector<8192x32xf32>
    %get3A_9 = arith.constant 0 : index
    %get3A_10 = arith.constant 0 : index
    %get3A_11 = vector.load %arg3[%get3A_9, %get3A_10] : memref<8192x1xf32, #tpu.memory_space<vmem>>, vector<8192x1xf32>
    %mul3A = arith.constant 9.900000e-01 : f32
    %mul3A_12 = vector.broadcast %mul3A : f32 to vector<8192x32xf32>
    %mul3A_13 = arith.mulf %mul3A_12, %get3A_8 : vector<8192x32xf32>
    %mul3A_14 = arith.constant 0.00999999977 : f32
    %mul3A_15 = vector.broadcast %mul3A_14 : f32 to vector<8192x32xf32>
    %mul3A_16 = arith.mulf %mul3A_15, %slice3A : vector<8192x32xf32>
    %add3A = arith.addf %mul3A_13, %mul3A_16 : vector<8192x32xf32>
    %broadcast_in_dim3A_17 = vector.shape_cast %gt3A_5 : vector<8192x1xi1> to vector<8192x1xi1>
    %broadcast_in_dim3A_18 = vector.broadcast %broadcast_in_dim3A_17 : vector<8192x1xi1> to vector<8192x32xi1>
    %select_n3A = arith.select %broadcast_in_dim3A_18, %add3A, %get3A_8 : vector<8192x32xi1>, vector<8192x32xf32>
    %mul3A_19 = arith.constant 9.900000e-01 : f32
    %mul3A_20 = vector.broadcast %mul3A_19 : f32 to vector<8192x1xf32>
    %mul3A_21 = arith.mulf %mul3A_20, %get3A_11 : vector<8192x1xf32>
    %mul3A_22 = arith.constant 0.00999999977 : f32
    %mul3A_23 = vector.broadcast %mul3A_22 : f32 to vector<8192x1xf32>
    %mul3A_24 = arith.mulf %mul3A_23, %broadcast_in_dim3A : vector<8192x1xf32>
    %add3A_25 = arith.addf %mul3A_21, %mul3A_24 : vector<8192x1xf32>
    %select_n3A_26 = arith.select %gt3A_5, %add3A_25, %get3A_11 : vector<8192x1xi1>, vector<8192x1xf32>
    %div3A = vector.broadcast %select_n3A_26 : vector<8192x1xf32> to vector<8192x32xf32>
    %div3A_27 = arith.divf %select_n3A, %div3A : vector<8192x32xf32>
    %get3A_28 = arith.constant 0 : index
    %get3A_29 = arith.constant 0 : index
    %get3A_30 = vector.load %arg1[%get3A_28, %get3A_29] : memref<8192x32xf32, #tpu.memory_space<vmem>>, vector<8192x32xf32>
    %broadcast_in_dim3A_31 = vector.shape_cast %gt3A_5 : vector<8192x1xi1> to vector<8192x1xi1>
    %broadcast_in_dim3A_32 = vector.broadcast %broadcast_in_dim3A_31 : vector<8192x1xi1> to vector<8192x32xi1>
    %select_n3A_33 = arith.select %broadcast_in_dim3A_32, %div3A_27, %get3A_30 : vector<8192x32xi1>, vector<8192x32xf32>
    %swap3A = arith.constant 0 : index
    %swap3A_34 = arith.constant 0 : index
    %swap3A_35 = vector.load %arg4[%swap3A, %swap3A_34] : memref<8192x32xf32, #tpu.memory_space<vmem>>, vector<8192x32xf32>
    tpu.vector_store %arg4[%swap3A, %swap3A_34], %select_n3A_33 {strides = array<i32>} : memref<8192x32xf32, #tpu.memory_space<vmem>>, vector<8192x32xf32>,
    return
  }
}

</mosaic_0001>

<sc_bundles>
// kernel: kernel.5.cloned.1.call-start
scs
__scs_entry_jumppad:
0x0: {  	(pc) =	sbr.rel $0x88, $3  }
0x1: {  	(tag) =	ssettag $0x0;
	lr =	simm.s32 $0x1  }
0x2: {  	[smem:$0x3F9D] =	sst lr;
	_ =	strace $0xD0000000  }
0x3: {  	_ = 	snop  }
0x4: {  	_ = 	snop  }
0x5: {  	_ = 	snop  }
0x6: {  	_ = 	snop  }
0x7: {  	_ = 	snop  }
__scs_overlays_trampoline_lowered:
0x8: {  	[smem:$0x3FAC] =	sst s0  }
0x9: {  	[smem:$0x3FAD] =	sst s1  }
0xa: {  	[smem:$0x3FAE] =	sst s2  }
0xb: {  	[smem:$0x3FAF] =	sst s3  }
0xc: {  	[smem:$0x3FB0] =	sst s4  }
0xd: {  	[smem:$0x3FB1] =	sst s5  }
0xe: {  	[smem:$0x3FB2] =	sst s6  }
0xf: {  	[smem:$0x3FB3] =	sst s7  }
0x10: {  	[smem:$0x3FB4] =	sst s8  }
0x11: {  	[smem:$0x3FB5] =	sst s9;
	s0 =	simm.s32 @!p0 $0x0  }
0x12: {  	s1 =	sld [smem:$0x3F9B];
	s0 =	simm.s32 @p0 $0x1  }
0x13: {  	[smem:$0x3FB6] =	sst s0;
	s0 =	simm.s32 @!p1 $0x0  }
0x14: {  	s2 =	sld [smem:$0x3F9A];
	s0 =	simm.s32 @p1 $0x1  }
0x15: {  	[smem:$0x3FB7] =	sst s0;
	s0 =	simm.s32 @!p2 $0x0  }
0x16: {  	s3 =	sld [smem:$0x3FDB];
	s0 =	simm.s32 @p2 $0x1  }
0x17: {  	s4 =	simm.s32 $0x1BF5;
	[smem:$0x3FB9] =	sst s0  }
0x18: {  	s0 =	sld [smem:$0x3F9C];
	_ =	swait.ge [sflag:s4], $0x0  }
0x19: {  	s7 =	sld [smem:$0x3F9D]  }
0x1a: {  	s8 =	sadd.s32 $0xFFFFE003, lr  }
0x1b: {  	s9 =	sadd.s32 $0xFFFFFEF7, lr;
	s5 =	simm.s32 $0xFFFFFFFF;
	p2 =	slt.u32 s8, $0xFFFFF086  }
0x1c: {  	p1 =	slt.u32 s9, $0xF7A;
	s5 =	simm.s32 @!p2 $0x0  }
0x1d: {  	s5 =	simm.s32 @p1 $0x1;
	p0 =	seq.s32 s7, s2  }
0x1e: {  	s7 =	smul.u32 @!p0 $0xF7A, s2;
	p2 =	seq.s32 @!p0 s5, $0x0  }
0x1f: {  	s9 =	smul.u32 $0xF7A, s1;
	s8 =	simm.s32 @!p0 $0x1BF5;
	p2 =	por !p2, p0  }
0x20: {  	[sflag:s8] =	ssyncset.s32 @!p0 $0xFFFFF086;
	s6 =	sadd.s32 @!p0 s3, s7;
	s7 =	simm.s32 @!p0 $0x108  }
0x21: {  	s3 =	sadd.s32 s3, s9;
	s6 =	sadd.s32 @!p0 $0x88, s6;
	s7 =	simm.s32 @p2 $0x1082  }
0x22: {  	[simem:s7], [sflag:s8] =	dma.local @!p0 [hbm:s6], $0xF7A  }
0x23: {  	s9 =	sor.u32 $0xD0000000, s2;
	s6 =	simm.s32 $0x108;
	_ =	swait.ge @!p0 [sflag:s8], $0x0  }
0x24: {  	s3 =	sadd.s32 $0x88, s3;
	s6 =	simm.s32 @!p1 $0x1082;
	[sflag:s4] =	ssyncset.s32 $0xFFFFF086  }
0x25: {  	[simem:s6], [sflag:s4] =	dma.local [hbm:s3], $0xF7A  }
0x26: {  	[smem:$0x3F9D] =	sst s1;
	(tag) =	ssettag s2;
	_ =	strace s9  }
0x27: {  	s1 =	sld [smem:$0x3FAD]  }
0x28: {  	s2 =	sld [smem:$0x3FAE]  }
0x29: {  	s4 =	sld [smem:$0x3FB0]  }
0x2a: {  	p0 =	seq.s32 s5, $0x0;
	s5 =	sld [smem:$0x3FB1]  }
0x2b: {  	s6 =	sld [smem:$0x3FB2]  }
0x2c: {  	s7 =	sld [smem:$0x3FB3]  }
0x2d: {  	s3 =	simm.s32 $0x108;
	s8 =	sld [smem:$0x3FB4]  }
0x2e: {  	s3 =	simm.s32 @!p0 $0x1082;
	s9 =	sld [smem:$0x3FB5]  }
0x2f: {  	lr =	sadd.s32 s0, s3;
	s0 =	sld [smem:$0x3FAC]  }
0x30: {  	s3 =	sld [smem:$0x3FAF]  }
0x31: {  	[smem:$0x3FB8] =	sst s10  }
0x32: {  	s10 =	sld [smem:$0x3FB6];
	_ =	sdelay $0x3  }
0x33: {  	p0 =	seq.s32 s10, $0x1;
	s10 =	sld [smem:$0x3FB8];
	_ =	sdelay $0x3  }
0x34: {  	[smem:$0x3FB8] =	sst s10  }
0x35: {  	s10 =	sld [smem:$0x3FB7];
	_ =	sdelay $0x3  }
0x36: {  	p1 =	seq.s32 s10, $0x1;
	s10 =	sld [smem:$0x3FB8];
	_ =	sdelay $0x3  }
0x37: {  	[smem:$0x3FB8] =	sst s10  }
0x38: {  	s10 =	sld [smem:$0x3FB9]  }
0x39: {  	_ = 	snop;
	(pc) =	sbr.ind lr, $3  }
0x3a: {  	_ = 	snop  }
0x3b: {  	_ = 	snop  }
0x3c: {  	p2 =	seq.s32 s10, $0x1;
	s10 =	sld [smem:$0x3FB8]  }
0x3d: {  	_ =	shalt  }
0x3e: {  	_ =	shalt  }
0x3f: {  	_ =	shalt  }
0x40: {  	_ =	shalt  }
0x41: {  	_ =	shalt  }
0x42: {  	_ =	shalt  }
0x43: {  	_ =	shalt  }
0x44: {  	_ =	shalt  }
0x45: {  	_ =	shalt  }
0x46: {  	_ =	shalt  }
0x47: {  	_ =	shalt  }
0x48: {  	_ =	shalt  }
0x49: {  	_ =	shalt  }
0x4a: {  	_ =	shalt  }
0x4b: {  	_ =	shalt  }
0x4c: {  	_ =	shalt  }
0x4d: {  	_ =	shalt  }
0x4e: {  	_ =	shalt  }
0x4f: {  	_ =	shalt  }
0x50: {  	_ =	shalt  }
0x51: {  	_ =	shalt  }
0x52: {  	_ =	shalt  }
0x53: {  	_ =	shalt  }
0x54: {  	_ =	shalt  }
0x55: {  	_ =	shalt  }
0x56: {  	_ =	shalt  }
0x57: {  	_ =	shalt  }
0x58: {  	_ =	shalt  }
0x59: {  	_ =	shalt  }
0x5a: {  	_ =	shalt  }
0x5b: {  	_ =	shalt  }
0x5c: {  	_ =	shalt  }
0x5d: {  	_ =	shalt  }
0x5e: {  	_ =	shalt  }
0x5f: {  	_ =	shalt  }
0x60: {  	_ =	shalt  }
0x61: {  	_ =	shalt  }
0x62: {  	_ =	shalt  }
0x63: {  	_ =	shalt  }
0x64: {  	_ =	shalt  }
0x65: {  	_ =	shalt  }
0x66: {  	_ =	shalt  }
0x67: {  	_ =	shalt  }
0x68: {  	_ =	shalt  }
0x69: {  	_ =	shalt  }
0x6a: {  	_ =	shalt  }
0x6b: {  	_ =	shalt  }
0x6c: {  	_ =	shalt  }
0x6d: {  	_ =	shalt  }
0x6e: {  	_ =	shalt  }
0x6f: {  	_ =	shalt  }
0x70: {  	_ =	shalt  }
0x71: {  	_ =	shalt  }
0x72: {  	_ =	shalt  }
0x73: {  	_ =	shalt  }
0x74: {  	_ =	shalt  }
0x75: {  	_ =	shalt  }
0x76: {  	_ =	shalt  }
0x77: {  	_ =	shalt  }
0x78: {  	_ =	shalt  }
0x79: {  	_ =	shalt  }
0x7a: {  	_ =	shalt  }
0x7b: {  	_ =	shalt  }
0x7c: {  	_ =	shalt  }
0x7d: {  	_ =	shalt  }
0x7e: {  	_ =	shalt  }
0x7f: {  	_ =	shalt  }
0x80: {  	_ =	shalt  }
0x81: {  	_ =	shalt  }
0x82: {  	_ =	shalt  }
0x83: {  	_ =	shalt  }
0x84: {  	_ =	shalt  }
0x85: {  	_ =	shalt  }
0x86: {  	_ =	shalt  }
0x87: {  	_ =	shalt  }
.Lfunc_end0:
.L_simem_size_0:
called_computation_lowered:
.L_overlay_start_0:
0x88: {  	s2 =	sld [smem:$0x3FD9]  }
0x89: {  	s3 =	sld [smem:$0x3FFE];
	_ =	sdelay $0x1  }
0x8a: {  	s1 =	srdreg.scid  }
0x8b: {  	s0 =	sand.u32 $0x1, s1  }
0x8c: {  	s17 =	sshll.u32 s0, $0xA;
	s2 =	sadd.s32 s3, s2  }
0x8d: {  	s2 =	sadd.s32 s2, s17  }
0x8e: {  	[smem:$0x3FC4] =	sst s2  }
0x8f: {  	_ = 	snop  }
0x90: {  	s2 =	sld [smem:$0x3FD0];
	(tm) =	ssettm $0x1  }
0x91: {  	s18 =	sld [smem:$0x3FFB];
	_ =	sdelay $0x3  }
0x92: {  	_ =	strace s18  }
0x93: {  	s3 =	sld [smem:$0x3FFC];
	_ =	sdelay $0x3  }
0x94: {  	_ =	strace s3  }
0x95: {  	s3 =	sld [smem:$0x3FFD];
	_ =	sdelay $0x3  }
0x96: {  	_ =	strace s3  }
0x97: {  	_ =	strace $0x8FFFFFFF  }
0x98: {  	s19 =	sld [smem:$0x3FDB];
	_ =	sdelay $0x1  }
0x99: {  	s4 =	simm.s32 $_scs_section_size  }
0x9a: {  	s5 =	simm.s32 $_size__tile_overlayer_lowered;
	s6 =	simm.s32 $_tile_overlayer_lowered  }
0x9b: {  	s22 =	simm.s32 $0x1BFF;
	s21 =	sshll.u32 s6, $0x1;
	s3 =	sadd.s32 s4, s19  }
0x9c: {  	s7 =	simm.s32 $0x0;
	s20 =	sshll.u32 s5, $0x1;
	s5 =	sadd.s32 s21, s3  }
0x9d: {  	[timem:s7], [sflag:s22] =	dma.local [hbm:s5], s20  }
0x9e: {  	_ =	swait.ge [sflag:s22], s20  }
0x9f: {  	s4 =	ssub.s32 $0x0, s20;
	[sflag:s22] =	ssyncset.done $0x0  }
0xa0: {  	[sflag:s22] =	ssyncadd.s32 s4;
	_ =	sdelay $0x1  }
0xa1: {  	s23 =	simm.s32 $0x1B8B  }
0xa2: {  	_ =	swait.ge [sflag:s23], $0x1  }
0xa3: {  	[sflag:s23] =	ssyncset.done $0x0  }
0xa4: {  	s25 =	simm.s32 $0x1B8E;
	s24 =	sld [smem:$0x3FFE];
	[sflag:s23] =	ssyncadd.s32 $0xFFFFFFFF  }
0xa5: {  	s26 =	simm.s32 $execute0_lowered;
	[smem:$0x3FD2] =	sst s25  }
0xa6: {  	s5 =	sshll.u32 s26, $0x1;
	_ =	strace $0x80000046;
	[dreg:$0x1] =	wrdreg $0xFFFFFFFF  }
0xa7: {  	s28 =	simm.s32 $_size_execute0_lowered;
	s3 =	sadd.s32 s3, s5;
	[dreg:$0x0] =	wrdreg $0x0  }
0xa8: {  	s5 =	sshll.u32 s28, $0x1;
	[dreg:$0x2] =	wrdreg s3  }
0xa9: {  	[dreg:$0x3] =	wrdreg s5  }
0xaa: {  	[dreg:$0x4] =	wrdreg $0xC0  }
0xab: {  	_ =	task [dreg:s7], $0x5FFFF  }
0xac: {  	[dreg:$0x1] =	wrdreg $0xFFFFFFFF  }
0xad: {  	[dreg:$0x0] =	wrdreg $0x60  }
0xae: {  	[dreg:$0x2] =	wrdreg s24  }
0xaf: {  	[dreg:$0x3] =	wrdreg s2  }
0xb0: {  	[dreg:$0x4] =	wrdreg $0x9  }
0xb1: {  	_ =	task.clear_ibuf [dreg:s7], $0x5FFFF;
	_ =	strace $0x90000046  }
0xb2: {  	s29 =	simm.s32 $0x9;
	_ =	strace $0x80000048  }
0xb3: {  	_ =	swait.ge [sflag:s29], $0x1  }
0xb4: {  	[sflag:s29] =	ssyncadd.s32 $0xFFFFFFFF  }
0xb5: {  	_ =	strace $0x90000048  }
0xb6: {  	_ =	sfence  }
0xb7: {  	s30 =	sld [smem:$0x0];
	_ =	sdelay $0x2  }
0xb8: {  	s31 =	sshll.u32 s1, $0xD;
	s1 =	sshrl.u32 s1, $0x2  }
0xb9: {  	s3 =	sand.u32 $0x4000, s31;
	s1 =	sadd.s32 s1, s30  }
0xba: {  	s0 =	sor.u32 s3, s0;
	s1 =	sshll.u32 s1, $0x11  }
0xbb: {  	s0 =	sor.u32 s1, s0  }
0xbc: {  	s0 =	sadd.s32 $0x8F2B, s0  }
0xbd: {  	[sflag:s0] =	ssyncadd.remote.s32 $0x1  }
0xbe: {  	_ =	sfence.sel $0xFFFF  }
0xbf: {  	[dreg:$0x0] =	wrdreg $0xFFFFFFFF;
	(pc) =	sbr.abs _section_cstart, $3  }
0xc0: {  	[dreg:$0x1] =	wrdreg $0xFFFFFFFF  }
0xc1: {  	_ =	task.clear_ibuf [dreg:s7], $0x2FFFF;
	_ =	strace $0x9FFFFFFF  }
0xc2: {  	(tm) =	ssettm $0x7FFFFFFF  }
0xc3: {  	_ =	shalt  }
tec
execute0_lowered:
.L_overlay_start_1:
0x0: {  	(tag) =	ssettag $0x1  }
0x1: {  	s2 =	srdreg.scid  }
0x2: {  	s5 =	sand.u32 $0x1, s2  }
0x3: {  	s4 =	rddreg [dreg:$0x0];
	s2 =	stileid.u32;
	s6 =	sshll.u32 s5, $0x4  }
0x4: {  	s8 =	ssub.s32 $0x2, s5;
	s5 =	sshll.u32 s5, $0x12;
	s10 =	sshll.u32 s2, $0xE  }
0x5: {  	s1 =	rddreg [dreg:$0x1];
	s9 =	sshrl.u32 s8, $0x1;
	s30 =	sor.u32 s10, s5  }
0x6: {  	s3 =	simm.s32 $0x0;
	s8 =	ssub.s32 s8, s9;
	s9 =	sadd.s32 $0xFFF90000, s30  }
0x7: {  	[smem:$0x7FF] =	sst s3;
	s31 =	sshra.s32 s9, $0x2  }
0x8: {  	s0 =	rddreg [dreg:$0x2];
	_ =	strace $0x80000047;
	s12 =	sadd.s32 $0x4000, s31  }
.Ltmp0:
0x9: {  	s11 =	sor.u32 s2, s6;
	s10 =	simm.s32 $0x8000;
	v2 =	vmov s12;
	(pc) =	sbr.rel .LBB2_1-.Ltmp0, $4  }
0xa: {  	s6 =	sshll.u32 s11, $0xB;
	s7 =	sshll.u32 s11, $0xA;
	p0 =	slt.u32 s11, $0x1C  }
0xb: {  	s11 =	simm.s32 $0x0;
	s6 =	sadd.s32 s6, s4;
	s7 =	sadd.s32 s7, s4  }
0xc: {  	s9 =	simm.s32 $0x4000;
	s4 =	sadd.s32 $0xA00, s6;
	s5 =	sadd.s32 $0x10A00, s7  }
0xd: {  	v0 =	vimm.f32 $0.0e+00;
	v1 =	vimm.f32 $1.000000000e+00;
	s6 =	sadd.s32 $0x11A00, s7;
	s7 =	smax.u32 s8, $0x1;
	s8 =	simm.s32 $0x1  }
.LBB2_10:
0xe: {  	_ =	sdelay $0x3  }
0xf: {  	v3 =	vld.idx.msk [tilespmem:v2+s13+$0x0 ss:$0x1], $0xffff;
	_ =	sdelay $0x7  }
0x10: {  	[tilespmem:v3+s10+$0x0] =	vst.idx.add.f32.msk $0xffff, v1  }
0x11: {  	[hbm4b:s6+s3] =	stream.linear.scatter [tilespmem:s10], [sflag:$0x1], $0x2000, $0x38;
	[tilespmem:$0xA000] =	vst v63  }
0x12: {  	_ =	swait.ge [sflag:s8], $0x2000  }
0x13: {  	[sflag:s8] =	ssyncset.done $0x0  }
0x14: {  	[sflag:s8] =	ssyncadd.s32 $0xFFFFE000  }
.LBB2_11:
0x15: {  	s11 =	sadd.s32 $0x1, s11  }
0x16: {  	p1 =	sne.s32 s11, s7  }
.Ltmp1:
0x17: {  	_ = 	snop;
	(pc) =	sbr.rel @!p1 .LBB2_12-.Ltmp1, $1  }
0x18: {  	_ =	sdelay $0x3  }
.LBB2_1:
0x19: {  	[tilespmem:s3], [sflag:$0x1] =	stream.linear.gather [hbm4b:s4+s3], $0x4000, $0x38;
	[tilespmem:$0xA000] =	vst v63  }
0x1a: {  	_ =	swait.ge [sflag:s8], $0x4000  }
0x1b: {  	[sflag:s8] =	ssyncset.done $0x0  }
0x1c: {  	[sflag:s8] =	ssyncadd.s32 $0xFFFFC000  }
0x1d: {  	[tilespmem:s9], [sflag:$0x1] =	stream.linear.gather [hbm4b:s1+s3], $0x4000, $0x38;
	[tilespmem:$0xA000] =	vst v63  }
0x1e: {  	_ =	swait.ge [sflag:s8], $0x4000  }
0x1f: {  	[sflag:s8] =	ssyncset.done $0x0  }
0x20: {  	s12 =	simm.s32 $0x0;
	[sflag:s8] =	ssyncadd.s32 $0xFFFFC000  }
.LBB2_2:
0x21: {  	p1 =	sne.s32 s12, $0x7FC0  }
.Ltmp2:
0x22: {  	_ = 	snop;
	(pc) =	sbr.rel @p1 .LBB2_2-.Ltmp2, $3  }
0x23: {  	_ =	sdelay $0x1  }
0x24: {  	s13 =	sshra.s32 s12, $0x2  }
0x25: {  	s12 =	sadd.s32 $0x40, s12;
	[tilespmem:s13+$0x8000] =	vst v0  }
0x26: {  	s13 =	simm.s32 $0x0;
	s12 =	simm.s32 $0x40  }
.LBB2_4:
0x27: {  	p1 =	sne.s32 s12, $0xFFC0;
	v3 =	vld [tilespmem:s13+$0x4000];
	_ =	sdelay $0x2  }
0x28: {  	v4 =	vld [tilespmem:s13+$0x0]  }
.Ltmp3:
0x29: {  	(pc) =	sbr.rel @p1 .LBB2_4-.Ltmp3, $2  }
0x2a: {  	_ =	sdelay $0x2  }
0x2b: {  	s13 =	sshra.s32 s12, $0x2;
	s12 =	sadd.s32 $0x40, s12;
	[tilespmem:v3+s10+$0x0] =	vst.idx.add.f32.msk $0xffff, v4  }
0x2c: {  	v3 =	vld [tilespmem:s13+$0x4000];
	_ =	sdelay $0x2  }
0x2d: {  	v4 =	vld [tilespmem:s13+$0x0];
	_ =	sdelay $0x4  }
.Ltmp4:
0x2e: {  	s12 =	simm.s32 $0x0;
	[tilespmem:v3+s10+$0x0] =	vst.idx.add.f32.msk $0xffff, v4;
	(pc) =	sbr.rel @p0 .LBB2_11-.Ltmp4, $4  }
0x2f: {  	[hbm4b:s5+s12] =	stream.linear.scatter [tilespmem:s10], [sflag:$0x1], $0x2000, $0x38;
	[tilespmem:$0xA000] =	vst v63  }
0x30: {  	_ =	swait.ge [sflag:s8], $0x2000  }
0x31: {  	[sflag:s8] =	ssyncset.done $0x0  }
0x32: {  	[sflag:s8] =	ssyncadd.s32 $0xFFFFE000  }
0x33: {  	s12 =	simm.s32 $0x40;
	s13 =	simm.s32 $0x0  }
.LBB2_7:
0x34: {  	p1 =	sne.s32 s12, $0x7FC0;
	[tilespmem:s13+$0x8000] =	vst v0;
	s13 =	smov.u32 s12;
	s12 =	sadd.s32 $0x40, s12  }
.Ltmp5:
0x35: {  	(pc) =	sbr.rel @p1 .LBB2_7-.Ltmp5, $2  }
0x36: {  	_ =	sdelay $0x2  }
0x37: {  	s13 =	sshra.s32 s13, $0x2  }
0x38: {  	[tilespmem:s13+$0x8000] =	vst v0;
	s13 =	simm.s32 $0x0;
	s12 =	simm.s32 $0x40  }
.LBB2_9:
0x39: {  	p1 =	sne.s32 s12, $0x3FC0;
	v3 =	vld.idx.msk [tilespmem:v2+s13+$0x0 ss:$0x1], $0xffff;
	_ =	sdelay $0x3  }
.Ltmp6:
0x3a: {  	(pc) =	sbr.rel @p1 .LBB2_9-.Ltmp6, $2  }
0x3b: {  	_ =	sdelay $0x2  }
0x3c: {  	s13 =	sshra.s32 s12, $0x2;
	s12 =	sadd.s32 $0x40, s12;
	[tilespmem:v3+s10+$0x0] =	vst.idx.add.f32.msk $0xffff, v1  }
.Ltmp7:
0x3d: {  	_ = 	snop;
	(pc) =	sbr.rel .LBB2_10-.Ltmp7, $1  }
0x3e: {  	_ =	sdelay $0x3  }
.LBB2_12:
0x3f: {  	_ =	sfence.sel $0x180000  }
0x40: {  	[bflag:$0x0] =	sbarrier.arrive $0xFFFF  }
0x41: {  	p0 =	sne.s32 s2, $0x0;
	_ =	strace $0x90000047  }
0x42: {  	s0 =	sadd.s32 @!p0 $0x100000, s0;
	[bflag:$0x2] =	sbarrier.arrive $0xFFFF  }
0x43: {  	[sflag:s0] =	ssyncadd.tile.s32 @!p0 $0x1;
	_ =	shalt  }
.Lfunc_end2:
_tile_overlayer_lowered:
.L_overlay_start_2:
0x44: {  	(tag) =	ssettag $0x2  }
0x45: {  	s0 =	rddreg [dreg:$0x0];
	s2 =	stileid.u32  }
0x46: {  	s1 =	rddreg [dreg:$0x1];
	p0 =	sne.s32 s2, $0x0  }
0x47: {  	s3 =	rddreg [dreg:$0x2];
	[bflag:$0x3] =	sbarrier.arrive $0xFFFF;
	s2 =	simm.s32 @!p0 $0x1C01  }
0x48: {  	[timem:s3], [sflag:s2] =	dma.local @!p0 [hbm:s0], s1  }
0x49: {  	s0 =	simm.s32 @!p0 $0x1  }
0x4a: {  	_ =	swait.ge @!p0 [sflag:s0], s1  }
0x4b: {  	s1 =	ssub.s32 @!p0 $0x0, s1;
	[sflag:s0] =	ssyncset.done @!p0 $0x0  }
0x4c: {  	[sflag:s0] =	ssyncadd.s32 @!p0 s1  }
0x4d: {  	[bflag:$0x3] =	sbarrier.arrive $0xFFFF  }
0x4e: {  	_ =	shalt  }

</sc_bundles>
